<compile_context>
chip_gen: v7x
topology: tpu7x:2x2x1
jax: 0.10.2.dev20260603
libtpu: 0.0.44.dev20260713+nightly
codegen_flags: <defaults>
</compile_context>

<pallas_src>
import functools

import jax
import jax.numpy as jnp
from jax import lax
from jax.experimental import pallas as pl
from jax.experimental.pallas import tpu as pltpu
from jax.experimental.pallas import tpu_sc as plsc

_N_SEQ = 4
_SEQ_LEN = 1000
_NF = 5143
_NI = 300


def kernel(flame_books, inner_books, idx_to_sequence, sequence, frame):
    flame4 = flame_books.reshape(_N_SEQ, _SEQ_LEN, _NF, 3)
    inner4 = inner_books.reshape(_N_SEQ, _SEQ_LEN, _NI, 3)
    seq1 = jnp.asarray(sequence, jnp.int32).reshape(1)
    frame1 = jnp.asarray(frame, jnp.int32).reshape(1)
    idxmap = idx_to_sequence.astype(jnp.int32)

    mesh = plsc.VectorSubcoreMesh(core_axis_name="c", subcore_axis_name="s")

    @functools.partial(
        pl.kernel,
        mesh=mesh,
        out_type=jax.ShapeDtypeStruct((_NF + _NI, 3), jnp.float32),
        compiler_params=pltpu.CompilerParams(
            needs_layout_passes=False, use_tc_tiling_on_sc=False),
        scratch_types=[
            pltpu.VMEM((16,), jnp.int32),
            pltpu.VMEM((16,), jnp.int32),
            pltpu.VMEM((_NF + _NI, 3), jnp.float32),
        ],
    )
    def body(flame_hbm, inner_hbm, map_hbm, seq_hbm, frame_hbm, out_hbm,
             sf_v, map_v, buf_v):
        wid = lax.axis_index("s") * 2 + lax.axis_index("c")

        @pl.when(wid == 0)
        def _():
            pltpu.sync_copy(seq_hbm, sf_v.at[pl.ds(0, 1)])
            pltpu.sync_copy(frame_hbm, sf_v.at[pl.ds(8, 1)])
            pltpu.sync_copy(map_hbm, map_v.at[pl.ds(0, _N_SEQ)])
            sf = sf_v[...]
            s_bcast = jnp.full((16,), sf[0], jnp.int32)
            s = plsc.load_gather(map_v, [s_bcast])[0]
            f = sf[8]
            pltpu.sync_copy(flame_hbm.at[s, f], buf_v.at[pl.ds(0, _NF)])
            pltpu.sync_copy(inner_hbm.at[s, f], buf_v.at[pl.ds(_NF, _NI)])
            pltpu.sync_copy(buf_v, out_hbm)

    return body(flame4, inner4, idxmap, seq1, frame1)

# --- scband reference (transcript-rebuilt; emitter-appended) ---
"""Pipeline reference for scband-rigging-params-20607253086490 (READ-ONLY COPY).

The authoritative reference and input builder live on the scoring server;
editing this copy changes nothing except your own understanding.
"""

import jax, jax.numpy as jnp
import numpy as np

N_SEQ = 4
SEQ_LEN = 1000
NUM_FLAME_VERTICES = 5143
NUM_INNER_MOUTH_VERTICES = 300


def setup_inputs(seed: int = 0) -> dict:
    key = jax.random.key(seed)
    k1, k2 = jax.random.split(key)
    # Stacked per-sequence code books (equivalent to the nn.ModuleList of nn.Embedding)
    flame_books = jax.random.normal(k1, (N_SEQ, SEQ_LEN, NUM_FLAME_VERTICES * 3), dtype=jnp.float32)
    inner_books = jax.random.normal(k2, (N_SEQ, SEQ_LEN, NUM_INNER_MOUTH_VERTICES * 3), dtype=jnp.float32)
    # idx_to_sequence buffer: sequences = [0,1,2,3] so identity mapping
    idx_to_sequence = jnp.arange(N_SEQ, dtype=jnp.int32)
    return {
        "flame_books": flame_books,
        "inner_books": inner_books,
        "idx_to_sequence": idx_to_sequence,
        "sequence": 2,
        "frame": 123,
    }


def reference(flame_books, inner_books, idx_to_sequence, sequence, frame):
    # idx = self.idx_to_sequence[sequence]
    idx = jnp.take(idx_to_sequence, sequence)
    # flame_vertices = self.flame_code_books[idx](frame)
    flame_vertices = jnp.take(jnp.take(flame_books, idx, axis=0), frame, axis=0)
    flame_vertices = flame_vertices.reshape(-1, 3)
    # inner_mouth_vertices = self.inner_mouth_code_books[idx](frame)
    inner_mouth_vertices = jnp.take(jnp.take(inner_books, idx, axis=0), frame, axis=0)
    inner_mouth_vertices = inner_mouth_vertices.reshape(-1, 3)
    vertices = jnp.concatenate([flame_vertices, inner_mouth_vertices], axis=0)
    return vertices

if __name__ == "__main__":
    import jax
    _d = setup_inputs()
    print(jax.jit(kernel)(*tuple(_d.values())))

</pallas_src>

<mosaic_0001>
#map = affine_map<(d0, d1) -> (0, 0, 0, 0)>
#map1 = affine_map<(d0, d1) -> (0)>
#map2 = affine_map<(d0, d1) -> (0, 0)>
module attributes {stable_mosaic.version = 14 : i64} {
  func.func @body(%arg0: i32, %arg1: i32, %arg2: memref<4x1000x5143x3xf32, #tpu.memory_space<hbm>>, %arg3: memref<4x1000x300x3xf32, #tpu.memory_space<hbm>>, %arg4: memref<4xi32, #tpu.memory_space<hbm>>, %arg5: memref<1xi32, #tpu.memory_space<hbm>>, %arg6: memref<1xi32, #tpu.memory_space<hbm>>, %arg7: memref<5443x3xf32, #tpu.memory_space<hbm>>, %arg8: memref<16xi32, #tpu.memory_space<vmem>>, %arg9: memref<16xi32, #tpu.memory_space<vmem>>, %arg10: memref<5443x3xf32, #tpu.memory_space<vmem>>) attributes {dimension_semantics = [#tpu.dimension_semantics<core_parallel>, #tpu.dimension_semantics<subcore_parallel>], iteration_bounds = array<i64: 2, 16>, scalar_prefetch = 0 : i64, scratch_operands = 3 : i64, tpu.core_type = #tpu.core_type<sc_vector_subcore>, window_params = [{transform_indices = #map}, {transform_indices = #map}, {transform_indices = #map1}, {transform_indices = #map1}, {transform_indices = #map1}, {transform_indices = #map2}]} {
    %mul3A = arith.constant 2 : i32
    %mul3A_0 = arith.muli %arg1, %mul3A : i32
    %add3A = arith.addi %mul3A_0, %arg0 : i32
    %eq3A = arith.constant 0 : i32
    %eq3A_1 = arith.cmpi eq, %add3A, %eq3A : i32
    %convert_element_type3A = arith.extui %eq3A_1 : i1 to i32
    %cond3A = arith.constant 0 : i32
    %cond3A_2 = arith.cmpi ne, %convert_element_type3A, %cond3A : i32
    scf.if %cond3A_2 {
      "tpu.region"() ({
        %run_scoped3A = tpu.sem_alloc : memref<!tpu.dma_semaphore, #tpu.memory_space<semaphore_mem>>
        %dma_start3A = arith.constant 0 : i32
        %dma_start3A_8 = tpu.memref_slice %arg8[%dma_start3A] : memref<16xi32, #tpu.memory_space<vmem>> -> memref<1xi32, #tpu.memory_space<vmem>>
        %dma_start3A_9 = arith.constant 0 : i32
        %dma_start3A_10 = tpu.memref_slice %arg8[%dma_start3A_9] : memref<16xi32, #tpu.memory_space<vmem>> -> memref<1xi32, #tpu.memory_space<vmem>>
        tpu.enqueue_dma source(%arg5 : memref<1xi32, #tpu.memory_space<hbm>>) target(%dma_start3A_10 : memref<1xi32, #tpu.memory_space<vmem>>) target_semaphore(%run_scoped3A : memref<!tpu.dma_semaphore, #tpu.memory_space<semaphore_mem>>)
        %dma_wait3A = arith.constant 0 : i32
        %dma_wait3A_11 = tpu.memref_slice %arg8[%dma_wait3A] : memref<16xi32, #tpu.memory_space<vmem>> -> memref<1xi32, #tpu.memory_space<vmem>>
        %dma_wait3A_12 = arith.constant 0 : i32
        %dma_wait3A_13 = tpu.memref_slice %arg8[%dma_wait3A_12] : memref<16xi32, #tpu.memory_space<vmem>> -> memref<1xi32, #tpu.memory_space<vmem>>
        tpu.wait_dma2 semaphore(%run_scoped3A : memref<!tpu.dma_semaphore, #tpu.memory_space<semaphore_mem>>) src(%arg5 : memref<1xi32, #tpu.memory_space<hbm>>) dst(%dma_wait3A_13 : memref<1xi32, #tpu.memory_space<vmem>>)
        tpu.yield
      }) : () -> ()
      "tpu.region"() ({
        %run_scoped3A = tpu.sem_alloc : memref<!tpu.dma_semaphore, #tpu.memory_space<semaphore_mem>>
        %dma_start3A = arith.constant 8 : i32
        %dma_start3A_8 = tpu.memref_slice %arg8[%dma_start3A] : memref<16xi32, #tpu.memory_space<vmem>> -> memref<1xi32, #tpu.memory_space<vmem>>
        %dma_start3A_9 = arith.constant 8 : i32
        %dma_start3A_10 = tpu.memref_slice %arg8[%dma_start3A_9] : memref<16xi32, #tpu.memory_space<vmem>> -> memref<1xi32, #tpu.memory_space<vmem>>
        tpu.enqueue_dma source(%arg6 : memref<1xi32, #tpu.memory_space<hbm>>) target(%dma_start3A_10 : memref<1xi32, #tpu.memory_space<vmem>>) target_semaphore(%run_scoped3A : memref<!tpu.dma_semaphore, #tpu.memory_space<semaphore_mem>>)
        %dma_wait3A = arith.constant 8 : i32
        %dma_wait3A_11 = tpu.memref_slice %arg8[%dma_wait3A] : memref<16xi32, #tpu.memory_space<vmem>> -> memref<1xi32, #tpu.memory_space<vmem>>
        %dma_wait3A_12 = arith.constant 8 : i32
        %dma_wait3A_13 = tpu.memref_slice %arg8[%dma_wait3A_12] : memref<16xi32, #tpu.memory_space<vmem>> -> memref<1xi32, #tpu.memory_space<vmem>>
        tpu.wait_dma2 semaphore(%run_scoped3A : memref<!tpu.dma_semaphore, #tpu.memory_space<semaphore_mem>>) src(%arg6 : memref<1xi32, #tpu.memory_space<hbm>>) dst(%dma_wait3A_13 : memref<1xi32, #tpu.memory_space<vmem>>)
        tpu.yield
      }) : () -> ()
      "tpu.region"() ({
        %run_scoped3A = tpu.sem_alloc : memref<!tpu.dma_semaphore, #tpu.memory_space<semaphore_mem>>
        %dma_start3A = arith.constant 0 : i32
        %dma_start3A_8 = tpu.memref_slice %arg9[%dma_start3A] : memref<16xi32, #tpu.memory_space<vmem>> -> memref<4xi32, #tpu.memory_space<vmem>>
        %dma_start3A_9 = arith.constant 0 : i32
        %dma_start3A_10 = tpu.memref_slice %arg9[%dma_start3A_9] : memref<16xi32, #tpu.memory_space<vmem>> -> memref<4xi32, #tpu.memory_space<vmem>>
        tpu.enqueue_dma source(%arg4 : memref<4xi32, #tpu.memory_space<hbm>>) target(%dma_start3A_10 : memref<4xi32, #tpu.memory_space<vmem>>) target_semaphore(%run_scoped3A : memref<!tpu.dma_semaphore, #tpu.memory_space<semaphore_mem>>)
        %dma_wait3A = arith.constant 0 : i32
        %dma_wait3A_11 = tpu.memref_slice %arg9[%dma_wait3A] : memref<16xi32, #tpu.memory_space<vmem>> -> memref<4xi32, #tpu.memory_space<vmem>>
        %dma_wait3A_12 = arith.constant 0 : i32
        %dma_wait3A_13 = tpu.memref_slice %arg9[%dma_wait3A_12] : memref<16xi32, #tpu.memory_space<vmem>> -> memref<4xi32, #tpu.memory_space<vmem>>
        tpu.wait_dma2 semaphore(%run_scoped3A : memref<!tpu.dma_semaphore, #tpu.memory_space<semaphore_mem>>) src(%arg4 : memref<4xi32, #tpu.memory_space<hbm>>) dst(%dma_wait3A_13 : memref<4xi32, #tpu.memory_space<vmem>>)
        tpu.yield
      }) : () -> ()
      %get3A = arith.constant 0 : index
      %get3A_3 = tpu.vector_load %arg8[%get3A] {strides = array<i32>} : memref<16xi32, #tpu.memory_space<vmem>>, vector<16xi32>,
      %slice3A = vector.extract_strided_slice %get3A_3 {offsets = [0], sizes = [1], strides = [1]} : vector<16xi32> to vector<1xi32>
      %squeeze3A = vector.extract %slice3A[0] : i32 from vector<1xi32>
      %broadcast_in_dim3A = vector.broadcast %squeeze3A : i32 to vector<16xi32>
      %gather3A = tpu.vector_load_idx %arg9[%broadcast_in_dim3A] : memref<16xi32, #tpu.memory_space<vmem>>[vector<16xi32>], vector<16xi32>,
      %slice3A_4 = vector.extract_strided_slice %gather3A {offsets = [0], sizes = [1], strides = [1]} : vector<16xi32> to vector<1xi32>
      %squeeze3A_5 = vector.extract %slice3A_4[0] : i32 from vector<1xi32>
      %slice3A_6 = vector.extract_strided_slice %get3A_3 {offsets = [8], sizes = [1], strides = [1]} : vector<16xi32> to vector<1xi32>
      %squeeze3A_7 = vector.extract %slice3A_6[0] : i32 from vector<1xi32>
      "tpu.region"() ({
        %run_scoped3A = tpu.sem_alloc : memref<!tpu.dma_semaphore, #tpu.memory_space<semaphore_mem>>
        %dma_start3A = arith.constant 0 : i32
        %dma_start3A_8 = arith.constant 0 : i32
        %dma_start3A_9 = tpu.memref_slice %arg10[%dma_start3A, %dma_start3A_8] : memref<5443x3xf32, #tpu.memory_space<vmem>> -> memref<5143x3xf32, #tpu.memory_space<vmem>>
        %dma_start3A_10 = arith.constant 0 : i32
        %dma_start3A_11 = arith.constant 0 : i32
        %dma_start3A_12 = tpu.memref_slice %arg2[%squeeze3A_5, %squeeze3A_7, %dma_start3A_10, %dma_start3A_11] : memref<4x1000x5143x3xf32, #tpu.memory_space<hbm>> -> memref<1x1x5143x3xf32, #tpu.memory_space<hbm>>
        %dma_start3A_13 = tpu.memref_squeeze %dma_start3A_12 : memref<1x1x5143x3xf32, #tpu.memory_space<hbm>> -> memref<5143x3xf32, #tpu.memory_space<hbm>>
        %dma_start3A_14 = arith.constant 0 : i32
        %dma_start3A_15 = arith.constant 0 : i32
        %dma_start3A_16 = tpu.memref_slice %arg10[%dma_start3A_14, %dma_start3A_15] : memref<5443x3xf32, #tpu.memory_space<vmem>> -> memref<5143x3xf32, #tpu.memory_space<vmem>>
        %dma_start3A_17 = arith.constant 0 : i32
        %dma_start3A_18 = arith.constant 0 : i32
        %dma_start3A_19 = tpu.memref_slice %arg2[%squeeze3A_5, %squeeze3A_7, %dma_start3A_17, %dma_start3A_18] : memref<4x1000x5143x3xf32, #tpu.memory_space<hbm>> -> memref<1x1x5143x3xf32, #tpu.memory_space<hbm>>
        %dma_start3A_20 = tpu.memref_squeeze %dma_start3A_19 : memref<1x1x5143x3xf32, #tpu.memory_space<hbm>> -> memref<5143x3xf32, #tpu.memory_space<hbm>>
        tpu.enqueue_dma source(%dma_start3A_20 : memref<5143x3xf32, #tpu.memory_space<hbm>>) target(%dma_start3A_16 : memref<5143x3xf32, #tpu.memory_space<vmem>>) target_semaphore(%run_scoped3A : memref<!tpu.dma_semaphore, #tpu.memory_space<semaphore_mem>>)
        %dma_wait3A = arith.constant 0 : i32
        %dma_wait3A_21 = arith.constant 0 : i32
        %dma_wait3A_22 = tpu.memref_slice %arg10[%dma_wait3A, %dma_wait3A_21] : memref<5443x3xf32, #tpu.memory_space<vmem>> -> memref<5143x3xf32, #tpu.memory_space<vmem>>
        %dma_wait3A_23 = arith.constant 0 : i32
        %dma_wait3A_24 = arith.constant 0 : i32
        %dma_wait3A_25 = tpu.memref_slice %arg2[%squeeze3A_5, %squeeze3A_7, %dma_wait3A_23, %dma_wait3A_24] : memref<4x1000x5143x3xf32, #tpu.memory_space<hbm>> -> memref<1x1x5143x3xf32, #tpu.memory_space<hbm>>
        %dma_wait3A_26 = tpu.memref_squeeze %dma_wait3A_25 : memref<1x1x5143x3xf32, #tpu.memory_space<hbm>> -> memref<5143x3xf32, #tpu.memory_space<hbm>>
        %dma_wait3A_27 = arith.constant 0 : i32
        %dma_wait3A_28 = arith.constant 0 : i32
        %dma_wait3A_29 = tpu.memref_slice %arg10[%dma_wait3A_27, %dma_wait3A_28] : memref<5443x3xf32, #tpu.memory_space<vmem>> -> memref<5143x3xf32, #tpu.memory_space<vmem>>
        %dma_wait3A_30 = arith.constant 0 : i32
        %dma_wait3A_31 = arith.constant 0 : i32
        %dma_wait3A_32 = tpu.memref_slice %arg2[%squeeze3A_5, %squeeze3A_7, %dma_wait3A_30, %dma_wait3A_31] : memref<4x1000x5143x3xf32, #tpu.memory_space<hbm>> -> memref<1x1x5143x3xf32, #tpu.memory_space<hbm>>
        %dma_wait3A_33 = tpu.memref_squeeze %dma_wait3A_32 : memref<1x1x5143x3xf32, #tpu.memory_space<hbm>> -> memref<5143x3xf32, #tpu.memory_space<hbm>>
        tpu.wait_dma2 semaphore(%run_scoped3A : memref<!tpu.dma_semaphore, #tpu.memory_space<semaphore_mem>>) src(%dma_wait3A_33 : memref<5143x3xf32, #tpu.memory_space<hbm>>) dst(%dma_wait3A_29 : memref<5143x3xf32, #tpu.memory_space<vmem>>)
        tpu.yield
      }) : () -> ()
      "tpu.region"() ({
        %run_scoped3A = tpu.sem_alloc : memref<!tpu.dma_semaphore, #tpu.memory_space<semaphore_mem>>
        %dma_start3A = arith.constant 5143 : i32
        %dma_start3A_8 = arith.constant 0 : i32
        %dma_start3A_9 = tpu.memref_slice %arg10[%dma_start3A, %dma_start3A_8] : memref<5443x3xf32, #tpu.memory_space<vmem>> -> memref<300x3xf32, #tpu.memory_space<vmem>>
        %dma_start3A_10 = arith.constant 0 : i32
        %dma_start3A_11 = arith.constant 0 : i32
        %dma_start3A_12 = tpu.memref_slice %arg3[%squeeze3A_5, %squeeze3A_7, %dma_start3A_10, %dma_start3A_11] : memref<4x1000x300x3xf32, #tpu.memory_space<hbm>> -> memref<1x1x300x3xf32, #tpu.memory_space<hbm>>
        %dma_start3A_13 = tpu.memref_squeeze %dma_start3A_12 : memref<1x1x300x3xf32, #tpu.memory_space<hbm>> -> memref<300x3xf32, #tpu.memory_space<hbm>>
        %dma_start3A_14 = arith.constant 5143 : i32
        %dma_start3A_15 = arith.constant 0 : i32
        %dma_start3A_16 = tpu.memref_slice %arg10[%dma_start3A_14, %dma_start3A_15] : memref<5443x3xf32, #tpu.memory_space<vmem>> -> memref<300x3xf32, #tpu.memory_space<vmem>>
        %dma_start3A_17 = arith.constant 0 : i32
        %dma_start3A_18 = arith.constant 0 : i32
        %dma_start3A_19 = tpu.memref_slice %arg3[%squeeze3A_5, %squeeze3A_7, %dma_start3A_17, %dma_start3A_18] : memref<4x1000x300x3xf32, #tpu.memory_space<hbm>> -> memref<1x1x300x3xf32, #tpu.memory_space<hbm>>
        %dma_start3A_20 = tpu.memref_squeeze %dma_start3A_19 : memref<1x1x300x3xf32, #tpu.memory_space<hbm>> -> memref<300x3xf32, #tpu.memory_space<hbm>>
        tpu.enqueue_dma source(%dma_start3A_20 : memref<300x3xf32, #tpu.memory_space<hbm>>) target(%dma_start3A_16 : memref<300x3xf32, #tpu.memory_space<vmem>>) target_semaphore(%run_scoped3A : memref<!tpu.dma_semaphore, #tpu.memory_space<semaphore_mem>>)
        %dma_wait3A = arith.constant 5143 : i32
        %dma_wait3A_21 = arith.constant 0 : i32
        %dma_wait3A_22 = tpu.memref_slice %arg10[%dma_wait3A, %dma_wait3A_21] : memref<5443x3xf32, #tpu.memory_space<vmem>> -> memref<300x3xf32, #tpu.memory_space<vmem>>
        %dma_wait3A_23 = arith.constant 0 : i32
        %dma_wait3A_24 = arith.constant 0 : i32
        %dma_wait3A_25 = tpu.memref_slice %arg3[%squeeze3A_5, %squeeze3A_7, %dma_wait3A_23, %dma_wait3A_24] : memref<4x1000x300x3xf32, #tpu.memory_space<hbm>> -> memref<1x1x300x3xf32, #tpu.memory_space<hbm>>
        %dma_wait3A_26 = tpu.memref_squeeze %dma_wait3A_25 : memref<1x1x300x3xf32, #tpu.memory_space<hbm>> -> memref<300x3xf32, #tpu.memory_space<hbm>>
        %dma_wait3A_27 = arith.constant 5143 : i32
        %dma_wait3A_28 = arith.constant 0 : i32
        %dma_wait3A_29 = tpu.memref_slice %arg10[%dma_wait3A_27, %dma_wait3A_28] : memref<5443x3xf32, #tpu.memory_space<vmem>> -> memref<300x3xf32, #tpu.memory_space<vmem>>
        %dma_wait3A_30 = arith.constant 0 : i32
        %dma_wait3A_31 = arith.constant 0 : i32
        %dma_wait3A_32 = tpu.memref_slice %arg3[%squeeze3A_5, %squeeze3A_7, %dma_wait3A_30, %dma_wait3A_31] : memref<4x1000x300x3xf32, #tpu.memory_space<hbm>> -> memref<1x1x300x3xf32, #tpu.memory_space<hbm>>
        %dma_wait3A_33 = tpu.memref_squeeze %dma_wait3A_32 : memref<1x1x300x3xf32, #tpu.memory_space<hbm>> -> memref<300x3xf32, #tpu.memory_space<hbm>>
        tpu.wait_dma2 semaphore(%run_scoped3A : memref<!tpu.dma_semaphore, #tpu.memory_space<semaphore_mem>>) src(%dma_wait3A_33 : memref<300x3xf32, #tpu.memory_space<hbm>>) dst(%dma_wait3A_29 : memref<300x3xf32, #tpu.memory_space<vmem>>)
        tpu.yield
      }) : () -> ()
      "tpu.region"() ({
        %run_scoped3A = tpu.sem_alloc : memref<!tpu.dma_semaphore, #tpu.memory_space<semaphore_mem>>
        tpu.enqueue_dma source(%arg10 : memref<5443x3xf32, #tpu.memory_space<vmem>>) target(%arg7 : memref<5443x3xf32, #tpu.memory_space<hbm>>) target_semaphore(%run_scoped3A : memref<!tpu.dma_semaphore, #tpu.memory_space<semaphore_mem>>)
        tpu.wait_dma2 semaphore(%run_scoped3A : memref<!tpu.dma_semaphore, #tpu.memory_space<semaphore_mem>>) src(%arg10 : memref<5443x3xf32, #tpu.memory_space<vmem>>) dst(%arg7 : memref<5443x3xf32, #tpu.memory_space<hbm>>)
        tpu.yield
      }) : () -> ()
    } else {
    }
    return
  }
}

</mosaic_0001>

<sc_bundles>
// kernel: kernel.3.cloned.1.call-start
scs
__scs_entry_jumppad:
0x0: {  	(pc) =	sbr.rel $0x88, $3  }
0x1: {  	(tag) =	ssettag $0x0;
	lr =	simm.s32 $0x1  }
0x2: {  	[smem:$0x3F9C] =	sst lr;
	_ =	strace $0xD0000000  }
0x3: {  	_ = 	snop  }
0x4: {  	_ = 	snop  }
0x5: {  	_ = 	snop  }
0x6: {  	_ = 	snop  }
0x7: {  	_ = 	snop  }
__scs_overlays_trampoline_lowered:
0x8: {  	[smem:$0x3FAB] =	sst s0  }
0x9: {  	[smem:$0x3FAC] =	sst s1  }
0xa: {  	[smem:$0x3FAD] =	sst s2  }
0xb: {  	[smem:$0x3FAE] =	sst s3  }
0xc: {  	[smem:$0x3FAF] =	sst s4  }
0xd: {  	[smem:$0x3FB0] =	sst s5  }
0xe: {  	[smem:$0x3FB1] =	sst s6  }
0xf: {  	[smem:$0x3FB2] =	sst s7  }
0x10: {  	[smem:$0x3FB3] =	sst s8  }
0x11: {  	[smem:$0x3FB4] =	sst s9;
	s0 =	simm.s32 @!p0 $0x0  }
0x12: {  	s1 =	sld [smem:$0x3F9A];
	s0 =	simm.s32 @p0 $0x1  }
0x13: {  	[smem:$0x3FB5] =	sst s0;
	s0 =	simm.s32 @!p1 $0x0  }
0x14: {  	s2 =	sld [smem:$0x3F99];
	s0 =	simm.s32 @p1 $0x1  }
0x15: {  	[smem:$0x3FB6] =	sst s0;
	s0 =	simm.s32 @!p2 $0x0  }
0x16: {  	s3 =	sld [smem:$0x3FDB];
	s0 =	simm.s32 @p2 $0x1  }
0x17: {  	s4 =	simm.s32 $0x1BF5;
	[smem:$0x3FB8] =	sst s0  }
0x18: {  	s0 =	sld [smem:$0x3F9B];
	_ =	swait.ge [sflag:s4], $0x0  }
0x19: {  	s7 =	sld [smem:$0x3F9C]  }
0x1a: {  	s8 =	sadd.s32 $0xFFFFE003, lr  }
0x1b: {  	s9 =	sadd.s32 $0xFFFFFEF7, lr;
	s5 =	simm.s32 $0xFFFFFFFF;
	p2 =	slt.u32 s8, $0xFFFFF086  }
0x1c: {  	p1 =	slt.u32 s9, $0xF7A;
	s5 =	simm.s32 @!p2 $0x0  }
0x1d: {  	s5 =	simm.s32 @p1 $0x1;
	p0 =	seq.s32 s7, s2  }
0x1e: {  	s7 =	smul.u32 @!p0 $0xF7A, s2;
	p2 =	seq.s32 @!p0 s5, $0x0  }
0x1f: {  	s9 =	smul.u32 $0xF7A, s1;
	s8 =	simm.s32 @!p0 $0x1BF5;
	p2 =	por !p2, p0  }
0x20: {  	[sflag:s8] =	ssyncset.s32 @!p0 $0xFFFFF086;
	s6 =	sadd.s32 @!p0 s3, s7;
	s7 =	simm.s32 @!p0 $0x108  }
0x21: {  	s3 =	sadd.s32 s3, s9;
	s6 =	sadd.s32 @!p0 $0x88, s6;
	s7 =	simm.s32 @p2 $0x1082  }
0x22: {  	[simem:s7], [sflag:s8] =	dma.local @!p0 [hbm:s6], $0xF7A  }
0x23: {  	s9 =	sor.u32 $0xD0000000, s2;
	s6 =	simm.s32 $0x108;
	_ =	swait.ge @!p0 [sflag:s8], $0x0  }
0x24: {  	s3 =	sadd.s32 $0x88, s3;
	s6 =	simm.s32 @!p1 $0x1082;
	[sflag:s4] =	ssyncset.s32 $0xFFFFF086  }
0x25: {  	[simem:s6], [sflag:s4] =	dma.local [hbm:s3], $0xF7A  }
0x26: {  	[smem:$0x3F9C] =	sst s1;
	(tag) =	ssettag s2;
	_ =	strace s9  }
0x27: {  	s1 =	sld [smem:$0x3FAC]  }
0x28: {  	s2 =	sld [smem:$0x3FAD]  }
0x29: {  	s4 =	sld [smem:$0x3FAF]  }
0x2a: {  	p0 =	seq.s32 s5, $0x0;
	s5 =	sld [smem:$0x3FB0]  }
0x2b: {  	s6 =	sld [smem:$0x3FB1]  }
0x2c: {  	s7 =	sld [smem:$0x3FB2]  }
0x2d: {  	s3 =	simm.s32 $0x108;
	s8 =	sld [smem:$0x3FB3]  }
0x2e: {  	s3 =	simm.s32 @!p0 $0x1082;
	s9 =	sld [smem:$0x3FB4]  }
0x2f: {  	lr =	sadd.s32 s0, s3;
	s0 =	sld [smem:$0x3FAB]  }
0x30: {  	s3 =	sld [smem:$0x3FAE]  }
0x31: {  	[smem:$0x3FB7] =	sst s10  }
0x32: {  	s10 =	sld [smem:$0x3FB5];
	_ =	sdelay $0x3  }
0x33: {  	p0 =	seq.s32 s10, $0x1;
	s10 =	sld [smem:$0x3FB7];
	_ =	sdelay $0x3  }
0x34: {  	[smem:$0x3FB7] =	sst s10  }
0x35: {  	s10 =	sld [smem:$0x3FB6];
	_ =	sdelay $0x3  }
0x36: {  	p1 =	seq.s32 s10, $0x1;
	s10 =	sld [smem:$0x3FB7];
	_ =	sdelay $0x3  }
0x37: {  	[smem:$0x3FB7] =	sst s10  }
0x38: {  	s10 =	sld [smem:$0x3FB8]  }
0x39: {  	_ = 	snop;
	(pc) =	sbr.ind lr, $3  }
0x3a: {  	_ = 	snop  }
0x3b: {  	_ = 	snop  }
0x3c: {  	p2 =	seq.s32 s10, $0x1;
	s10 =	sld [smem:$0x3FB7]  }
0x3d: {  	_ =	shalt  }
0x3e: {  	_ =	shalt  }
0x3f: {  	_ =	shalt  }
0x40: {  	_ =	shalt  }
0x41: {  	_ =	shalt  }
0x42: {  	_ =	shalt  }
0x43: {  	_ =	shalt  }
0x44: {  	_ =	shalt  }
0x45: {  	_ =	shalt  }
0x46: {  	_ =	shalt  }
0x47: {  	_ =	shalt  }
0x48: {  	_ =	shalt  }
0x49: {  	_ =	shalt  }
0x4a: {  	_ =	shalt  }
0x4b: {  	_ =	shalt  }
0x4c: {  	_ =	shalt  }
0x4d: {  	_ =	shalt  }
0x4e: {  	_ =	shalt  }
0x4f: {  	_ =	shalt  }
0x50: {  	_ =	shalt  }
0x51: {  	_ =	shalt  }
0x52: {  	_ =	shalt  }
0x53: {  	_ =	shalt  }
0x54: {  	_ =	shalt  }
0x55: {  	_ =	shalt  }
0x56: {  	_ =	shalt  }
0x57: {  	_ =	shalt  }
0x58: {  	_ =	shalt  }
0x59: {  	_ =	shalt  }
0x5a: {  	_ =	shalt  }
0x5b: {  	_ =	shalt  }
0x5c: {  	_ =	shalt  }
0x5d: {  	_ =	shalt  }
0x5e: {  	_ =	shalt  }
0x5f: {  	_ =	shalt  }
0x60: {  	_ =	shalt  }
0x61: {  	_ =	shalt  }
0x62: {  	_ =	shalt  }
0x63: {  	_ =	shalt  }
0x64: {  	_ =	shalt  }
0x65: {  	_ =	shalt  }
0x66: {  	_ =	shalt  }
0x67: {  	_ =	shalt  }
0x68: {  	_ =	shalt  }
0x69: {  	_ =	shalt  }
0x6a: {  	_ =	shalt  }
0x6b: {  	_ =	shalt  }
0x6c: {  	_ =	shalt  }
0x6d: {  	_ =	shalt  }
0x6e: {  	_ =	shalt  }
0x6f: {  	_ =	shalt  }
0x70: {  	_ =	shalt  }
0x71: {  	_ =	shalt  }
0x72: {  	_ =	shalt  }
0x73: {  	_ =	shalt  }
0x74: {  	_ =	shalt  }
0x75: {  	_ =	shalt  }
0x76: {  	_ =	shalt  }
0x77: {  	_ =	shalt  }
0x78: {  	_ =	shalt  }
0x79: {  	_ =	shalt  }
0x7a: {  	_ =	shalt  }
0x7b: {  	_ =	shalt  }
0x7c: {  	_ =	shalt  }
0x7d: {  	_ =	shalt  }
0x7e: {  	_ =	shalt  }
0x7f: {  	_ =	shalt  }
0x80: {  	_ =	shalt  }
0x81: {  	_ =	shalt  }
0x82: {  	_ =	shalt  }
0x83: {  	_ =	shalt  }
0x84: {  	_ =	shalt  }
0x85: {  	_ =	shalt  }
0x86: {  	_ =	shalt  }
0x87: {  	_ =	shalt  }
.Lfunc_end0:
.L_simem_size_0:
called_computation.1_lowered:
.L_overlay_start_0:
0x88: {  	s2 =	sld [smem:$0x3FD9]  }
0x89: {  	s3 =	sld [smem:$0x3FFE];
	_ =	sdelay $0x1  }
0x8a: {  	s1 =	srdreg.scid  }
0x8b: {  	s0 =	sand.u32 $0x1, s1  }
0x8c: {  	s17 =	sshll.u32 s0, $0xA;
	s2 =	sadd.s32 s3, s2  }
0x8d: {  	s2 =	sadd.s32 s2, s17  }
0x8e: {  	[smem:$0x3FC3] =	sst s2  }
0x8f: {  	_ = 	snop  }
0x90: {  	s2 =	sld [smem:$0x3FC7]  }
0x91: {  	s18 =	sld [smem:$0x3FC6]  }
0x92: {  	s4 =	sld [smem:$0x3FC5];
	(tm) =	ssettm $0x1  }
0x93: {  	s5 =	sld [smem:$0x3FFB];
	_ =	sdelay $0x3  }
0x94: {  	_ =	strace s5  }
0x95: {  	s5 =	sld [smem:$0x3FFC];
	_ =	sdelay $0x3  }
0x96: {  	_ =	strace s5  }
0x97: {  	s5 =	sld [smem:$0x3FFD];
	_ =	sdelay $0x3  }
0x98: {  	_ =	strace s5  }
0x99: {  	_ =	strace $0x8FFFFFFF  }
0x9a: {  	s19 =	sld [smem:$0x3FDB];
	_ =	sdelay $0x1  }
0x9b: {  	s6 =	simm.s32 $_scs_section_size  }
0x9c: {  	s7 =	simm.s32 $_size__tile_overlayer_lowered;
	s8 =	simm.s32 $_tile_overlayer_lowered  }
0x9d: {  	s22 =	simm.s32 $0x1BFF;
	s21 =	sshll.u32 s8, $0x1;
	s5 =	sadd.s32 s6, s19  }
0x9e: {  	s9 =	simm.s32 $0x0;
	s20 =	sshll.u32 s7, $0x1;
	s7 =	sadd.s32 s21, s5  }
0x9f: {  	[timem:s9], [sflag:s22] =	dma.local [hbm:s7], s20  }
0xa0: {  	_ =	swait.ge [sflag:s22], s20  }
0xa1: {  	s6 =	ssub.s32 $0x0, s20;
	[sflag:s22] =	ssyncset.done $0x0  }
0xa2: {  	[sflag:s22] =	ssyncadd.s32 s6;
	_ =	sdelay $0x1  }
0xa3: {  	s23 =	simm.s32 $0x1B8B  }
0xa4: {  	_ =	swait.ge [sflag:s23], $0x1  }
0xa5: {  	[sflag:s23] =	ssyncset.done $0x0  }
0xa6: {  	s25 =	simm.s32 $0x1B8E;
	s24 =	sld [smem:$0x3FFE];
	[sflag:s23] =	ssyncadd.s32 $0xFFFFFFFF  }
0xa7: {  	s26 =	simm.s32 $execute0_lowered;
	[smem:$0x3FD2] =	sst s25  }
0xa8: {  	s7 =	sshll.u32 s26, $0x1;
	_ =	strace $0x80000049;
	[dreg:$0x1] =	wrdreg $0xFFFFFFFF  }
0xa9: {  	s28 =	simm.s32 $_size_execute0_lowered;
	s5 =	sadd.s32 s5, s7;
	[dreg:$0x0] =	wrdreg $0x0  }
0xaa: {  	s7 =	sshll.u32 s28, $0x1;
	[dreg:$0x2] =	wrdreg s5  }
0xab: {  	[dreg:$0x3] =	wrdreg s7  }
0xac: {  	[dreg:$0x4] =	wrdreg $0xC0  }
0xad: {  	_ =	task [dreg:s9], $0x5FFFF  }
0xae: {  	[dreg:$0x1] =	wrdreg $0xFFFFFFFF  }
0xaf: {  	[dreg:$0x0] =	wrdreg $0x60  }
0xb0: {  	[dreg:$0x2] =	wrdreg s24  }
0xb1: {  	[dreg:$0x3] =	wrdreg s2  }
0xb2: {  	[dreg:$0x4] =	wrdreg s18  }
0xb3: {  	[dreg:$0x5] =	wrdreg s4  }
0xb4: {  	[dreg:$0x6] =	wrdreg $0x9  }
0xb5: {  	_ =	task.clear_ibuf [dreg:s9], $0x7FFFF;
	_ =	strace $0x90000049  }
0xb6: {  	s29 =	simm.s32 $0x9;
	_ =	strace $0x8000004B  }
0xb7: {  	_ =	swait.ge [sflag:s29], $0x1  }
0xb8: {  	[sflag:s29] =	ssyncadd.s32 $0xFFFFFFFF  }
0xb9: {  	_ =	strace $0x9000004B  }
0xba: {  	_ =	sfence  }
0xbb: {  	s30 =	sld [smem:$0x0];
	_ =	sdelay $0x2  }
0xbc: {  	s31 =	sshll.u32 s1, $0xD;
	s1 =	sshrl.u32 s1, $0x2  }
0xbd: {  	s3 =	sand.u32 $0x4000, s31;
	s1 =	sadd.s32 s1, s30  }
0xbe: {  	s0 =	sor.u32 s3, s0;
	s1 =	sshll.u32 s1, $0x11  }
0xbf: {  	s0 =	sor.u32 s1, s0  }
0xc0: {  	s0 =	sadd.s32 $0x8F2B, s0  }
0xc1: {  	[sflag:s0] =	ssyncadd.remote.s32 $0x1  }
0xc2: {  	_ =	sfence.sel $0xFFFF  }
0xc3: {  	[dreg:$0x0] =	wrdreg $0xFFFFFFFF;
	(pc) =	sbr.abs _section_cstart, $3  }
0xc4: {  	[dreg:$0x1] =	wrdreg $0xFFFFFFFF  }
0xc5: {  	_ =	task.clear_ibuf [dreg:s9], $0x2FFFF;
	_ =	strace $0x9FFFFFFF  }
0xc6: {  	(tm) =	ssettm $0x7FFFFFFF  }
0xc7: {  	_ =	shalt  }
tec
execute0_lowered:
.L_overlay_start_1:
0x0: {  	(tag) =	ssettag $0x1  }
0x1: {  	s1 =	srdreg.scid  }
0x2: {  	s12 =	sand.u32 $0x1, s1;
	s1 =	stileid.u32  }
0x3: {  	s6 =	sshll.u32 s1, $0x1;
	s7 =	ssub.s32 $0x0, s12  }
0x4: {  	s13 =	rddreg [dreg:$0x0];
	p0 =	sne.s32 s6, s7  }
.Ltmp0:
0x5: {  	s2 =	rddreg [dreg:$0x1];
	(pc) =	sbr.rel @p0 .LBB2_4-.Ltmp0, $4  }
0x6: {  	s3 =	rddreg [dreg:$0x2]  }
0x7: {  	s4 =	rddreg [dreg:$0x3];
	s5 =	simm.s32 $0x0  }
0x8: {  	[smem:$0x7FF] =	sst s5  }
0x9: {  	s0 =	rddreg [dreg:$0x4];
	_ =	strace $0x8000004A  }
0xa: {  	s6 =	simm.s32 $0x1  }
0xb: {  	[tilespmem:s5], [sflag:$0x1] =	stream.linear.gather [hbm4b:s3+s5], $0x1, $0x38;
	[tilespmem:$0xAA38] =	vst v63  }
0xc: {  	_ =	swait.ge [sflag:s6], $0x1  }
0xd: {  	[sflag:s6] =	ssyncset.done $0x0  }
0xe: {  	s7 =	simm.s32 $0x8;
	[sflag:s6] =	ssyncadd.s32 $0xFFFFFFFF  }
0xf: {  	[tilespmem:s7], [sflag:$0x1] =	stream.linear.gather [hbm4b:s4+s5], $0x1, $0x38;
	[tilespmem:$0xAA38] =	vst v63  }
0x10: {  	_ =	swait.ge [sflag:s6], $0x1  }
0x11: {  	[sflag:s6] =	ssyncset.done $0x0  }
0x12: {  	s8 =	simm.s32 $0x10;
	[sflag:s6] =	ssyncadd.s32 $0xFFFFFFFF  }
0x13: {  	[tilespmem:s8], [sflag:$0x1] =	stream.linear.gather [hbm4b:s2+s5], $0x4, $0x38;
	[tilespmem:$0xAA38] =	vst v63  }
0x14: {  	_ =	swait.ge [sflag:s6], $0x4  }
0x15: {  	[sflag:s6] =	ssyncset.done $0x0  }
0x16: {  	[sflag:s6] =	ssyncadd.s32 $0xFFFFFFFC  }
0x17: {  	v0 =	vld [tilespmem:$0x0];
	_ =	sdelay $0x4  }
0x18: {  	v1 =	vbroadcast v0, $0x0;
	_ =	sdelay $0x5  }
0x19: {  	v1 =	vld.idx.msk [tilespmem:v1+s8+$0x0], $0xffff;
	_ =	sdelay $0x3  }
0x1a: {  	(v2sf) =	vpush v0, $0x8  }
0x1b: {  	(v2sf) =	vpush v1, $0x0;
	_ =	sdelay $0xd  }
0x1c: {  	s10 =	spop (v2sf)  }
0x1d: {  	s9 =	smul.u32 $0xA0B8, s10;
	s11 =	spop (v2sf)  }
0x1e: {  	s14 =	smul.u32 $0x273CEC0, s11;
	_ =	sdelay $0x1  }
0x1f: {  	s30 =	ssub.s32 $0x2, s12;
	s14 =	sadd.s32 s9, s14  }
0x20: {  	s15 =	smul.u32 $0x960, s10;
	s9 =	sadd.s32 $0x14180600, s13;
	s14 =	sshrl.u32 s14, $0x3  }
0x21: {  	s10 =	simm.s32 $0x20;
	s16 =	smul.u32 $0x249F00, s11;
	s28 =	sadd.s32 s9, s14  }
0x22: {  	[tilespmem:s10], [sflag:$0x1] =	stream.linear.gather [hbm4b:s28+s5], $0xA0B8, $0x38;
	[tilespmem:$0xAA38] =	vst v63  }
0x23: {  	s12 =	simm.s32 $0xA0D8;
	s29 =	sadd.s32 s15, s16;
	_ =	swait.ge [sflag:s6], $0xA0B8  }
0x24: {  	s11 =	sadd.s32 $0x1551EE00, s13;
	s14 =	sshrl.u32 s29, $0x3;
	[sflag:s6] =	ssyncset.done $0x0  }
0x25: {  	s31 =	sshrl.u32 s30, $0x1;
	s14 =	sadd.s32 s11, s14;
	[sflag:s6] =	ssyncadd.s32 $0xFFFF5F48  }
0x26: {  	[tilespmem:s12], [sflag:$0x1] =	stream.linear.gather [hbm4b:s14+s5], $0x960, $0x38;
	[tilespmem:$0xAA38] =	vst v63  }
0x27: {  	s14 =	ssub.s32 s30, s31  }
0x28: {  	s14 =	smax.u32 s14, $0x1  }
0x29: {  	_ =	swait.ge [sflag:s6], $0x960;
	p0 =	sne.s32 s14, $0x1  }
.Ltmp1:
0x2a: {  	[sflag:s6] =	ssyncset.done $0x0;
	(pc) =	sbr.rel @!p0 .LBB2_3-.Ltmp1, $4  }
0x2b: {  	s13 =	sadd.s32 $0xC00, s13;
	[sflag:s6] =	ssyncadd.s32 $0xFFFFF6A0  }
0x2c: {  	[hbm4b:s13+s5] =	stream.linear.scatter [tilespmem:s10], [sflag:$0x1], $0xAA18, $0x38;
	[tilespmem:$0xAA38] =	vst v63  }
0x2d: {  	_ =	swait.ge [sflag:s6], $0xAA18  }
0x2e: {  	s14 =	sadd.s32 $0xFFFFFFFF, s14;
	[sflag:s6] =	ssyncset.done $0x0  }
.LBB2_2:
0x2f: {  	p0 =	sne.s32 s14, $0x1;
	s14 =	sadd.s32 $0xFFFFFFFF, s14;
	[sflag:s6] =	ssyncadd.s32 $0xFFFF55E8  }
0x30: {  	[tilespmem:s5], [sflag:$0x1] =	stream.linear.gather [hbm4b:s3+s5], $0x1, $0x38;
	[tilespmem:$0xAA38] =	vst v63  }
0x31: {  	_ =	swait.ge [sflag:s6], $0x1  }
0x32: {  	[sflag:s6] =	ssyncset.done $0x0  }
0x33: {  	[sflag:s6] =	ssyncadd.s32 $0xFFFFFFFF  }
0x34: {  	[tilespmem:s7], [sflag:$0x1] =	stream.linear.gather [hbm4b:s4+s5], $0x1, $0x38;
	[tilespmem:$0xAA38] =	vst v63  }
0x35: {  	_ =	swait.ge [sflag:s6], $0x1  }
0x36: {  	[sflag:s6] =	ssyncset.done $0x0  }
0x37: {  	[sflag:s6] =	ssyncadd.s32 $0xFFFFFFFF  }
0x38: {  	[tilespmem:s8], [sflag:$0x1] =	stream.linear.gather [hbm4b:s2+s5], $0x4, $0x38;
	[tilespmem:$0xAA38] =	vst v63  }
0x39: {  	_ =	swait.ge [sflag:s6], $0x4  }
0x3a: {  	[sflag:s6] =	ssyncset.done $0x0  }
0x3b: {  	[sflag:s6] =	ssyncadd.s32 $0xFFFFFFFC  }
0x3c: {  	v0 =	vld [tilespmem:$0x0];
	_ =	sdelay $0x4  }
0x3d: {  	v1 =	vbroadcast v0, $0x0;
	(v2sf) =	vpush v0, $0x8;
	_ =	sdelay $0x5  }
0x3e: {  	v0 =	vld.idx.msk [tilespmem:v1+s8+$0x0], $0xffff;
	_ =	sdelay $0x5  }
0x3f: {  	(v2sf) =	vpush v0, $0x0;
	_ =	sdelay $0x2  }
0x40: {  	s15 =	spop (v2sf);
	_ =	sdelay $0xa  }
0x41: {  	s16 =	smul.u32 $0x960, s15  }
0x42: {  	s15 =	smul.u32 $0xA0B8, s15;
	s17 =	spop (v2sf)  }
0x43: {  	s18 =	smul.u32 $0x273CEC0, s17  }
0x44: {  	s17 =	smul.u32 $0x249F00, s17  }
0x45: {  	s15 =	sadd.s32 s15, s18  }
0x46: {  	s16 =	sadd.s32 s16, s17;
	s15 =	sshrl.u32 s15, $0x3  }
0x47: {  	s16 =	sshrl.u32 s16, $0x3;
	s15 =	sadd.s32 s9, s15  }
0x48: {  	[tilespmem:s10], [sflag:$0x1] =	stream.linear.gather [hbm4b:s15+s5], $0xA0B8, $0x38;
	[tilespmem:$0xAA38] =	vst v63  }
0x49: {  	_ =	swait.ge [sflag:s6], $0xA0B8  }
0x4a: {  	[sflag:s6] =	ssyncset.done $0x0  }
0x4b: {  	s15 =	sadd.s32 s11, s16;
	[sflag:s6] =	ssyncadd.s32 $0xFFFF5F48  }
0x4c: {  	[tilespmem:s12], [sflag:$0x1] =	stream.linear.gather [hbm4b:s15+s5], $0x960, $0x38;
	[tilespmem:$0xAA38] =	vst v63  }
0x4d: {  	_ =	swait.ge [sflag:s6], $0x960  }
.Ltmp2:
0x4e: {  	[sflag:s6] =	ssyncset.done $0x0;
	(pc) =	sbr.rel @p0 .LBB2_2-.Ltmp2, $4  }
0x4f: {  	[sflag:s6] =	ssyncadd.s32 $0xFFFFF6A0  }
0x50: {  	[hbm4b:s13+s5] =	stream.linear.scatter [tilespmem:s10], [sflag:$0x1], $0xAA18, $0x38;
	[tilespmem:$0xAA38] =	vst v63  }
0x51: {  	_ =	swait.ge [sflag:s6], $0xAA18  }
0x52: {  	[sflag:s6] =	ssyncset.done $0x0  }
.LBB2_3:
0x53: {  	[sflag:s6] =	ssyncadd.s32 $0xFFFF55E8  }
.LBB2_4:
0x54: {  	_ =	sfence.sel $0x180000  }
0x55: {  	[bflag:$0x0] =	sbarrier.arrive $0xFFFF  }
0x56: {  	p0 =	sne.s32 s1, $0x0;
	_ =	strace $0x9000004A  }
0x57: {  	s0 =	sadd.s32 @!p0 $0x100000, s0;
	[bflag:$0x2] =	sbarrier.arrive $0xFFFF  }
0x58: {  	[sflag:s0] =	ssyncadd.tile.s32 @!p0 $0x1;
	_ =	shalt  }
.Lfunc_end2:
_tile_overlayer_lowered:
.L_overlay_start_2:
0x59: {  	(tag) =	ssettag $0x2  }
0x5a: {  	s0 =	rddreg [dreg:$0x0];
	s2 =	stileid.u32  }
0x5b: {  	s1 =	rddreg [dreg:$0x1];
	p0 =	sne.s32 s2, $0x0  }
0x5c: {  	s3 =	rddreg [dreg:$0x2];
	[bflag:$0x3] =	sbarrier.arrive $0xFFFF;
	s2 =	simm.s32 @!p0 $0x1C01  }
0x5d: {  	[timem:s3], [sflag:s2] =	dma.local @!p0 [hbm:s0], s1  }
0x5e: {  	s0 =	simm.s32 @!p0 $0x1  }
0x5f: {  	_ =	swait.ge @!p0 [sflag:s0], s1  }
0x60: {  	s1 =	ssub.s32 @!p0 $0x0, s1;
	[sflag:s0] =	ssyncset.done @!p0 $0x0  }
0x61: {  	[sflag:s0] =	ssyncadd.s32 @!p0 s1  }
0x62: {  	[bflag:$0x3] =	sbarrier.arrive $0xFFFF  }
0x63: {  	_ =	shalt  }

// kernel: sparse-core-data-format-call.cloned.1.call-start
scs
called_computation_lowered:
.L_overlay_start_0:
0x0: {  	s1 =	sld [smem:$0x3FD9]  }
0x1: {  	s2 =	sld [smem:$0x3FFE];
	_ =	sdelay $0x1  }
0x2: {  	s3 =	srdreg.scid  }
0x3: {  	s0 =	sand.u32 $0x1, s3  }
0x4: {  	s17 =	sshll.u32 s0, $0xA;
	s1 =	sadd.s32 s2, s1  }
0x5: {  	s1 =	sadd.s32 s1, s17  }
0x6: {  	[smem:$0x3FC3] =	sst s1  }
0x7: {  	_ = 	snop  }
0x8: {  	(tm) =	ssettm $0x1  }
0x9: {  	s18 =	sld [smem:$0x3FFB];
	_ =	sdelay $0x3  }
0xa: {  	_ =	strace s18  }
0xb: {  	s1 =	sld [smem:$0x3FFC];
	_ =	sdelay $0x3  }
0xc: {  	_ =	strace s1  }
0xd: {  	s1 =	sld [smem:$0x3FFD];
	_ =	sdelay $0x3  }
0xe: {  	_ =	strace s1  }
0xf: {  	_ =	strace $0x8FFFFFFF  }
0x10: {  	s19 =	sld [smem:$0x3FDB];
	_ =	sdelay $0x1  }
0x11: {  	s20 =	simm.s32 $_scs_section_size  }
0x12: {  	s4 =	simm.s32 $_size__tile_overlayer_lowered;
	s5 =	simm.s32 $_tile_overlayer_lowered  }
0x13: {  	s23 =	simm.s32 $0x1BFF;
	s22 =	sshll.u32 s5, $0x1;
	s1 =	sadd.s32 s20, s19  }
0x14: {  	s6 =	simm.s32 $0x0;
	s21 =	sshll.u32 s4, $0x1;
	s4 =	sadd.s32 s22, s1  }
0x15: {  	[timem:s6], [sflag:s23] =	dma.local [hbm:s4], s21  }
0x16: {  	_ =	swait.ge [sflag:s23], s21  }
0x17: {  	s2 =	ssub.s32 $0x0, s21;
	[sflag:s23] =	ssyncset.done $0x0  }
0x18: {  	[sflag:s23] =	ssyncadd.s32 s2;
	_ =	sdelay $0x1  }
0x19: {  	s24 =	simm.s32 $0x1B8B  }
0x1a: {  	_ =	swait.ge [sflag:s24], $0x1  }
0x1b: {  	[sflag:s24] =	ssyncset.done $0x0  }
0x1c: {  	s26 =	simm.s32 $0x1B8E;
	s25 =	sld [smem:$0x3FFE];
	[sflag:s24] =	ssyncadd.s32 $0xFFFFFFFF  }
0x1d: {  	s27 =	simm.s32 $execute0_lowered;
	[smem:$0x3FD2] =	sst s26  }
0x1e: {  	s4 =	sshll.u32 s27, $0x1;
	_ =	strace $0x80000046;
	[dreg:$0x1] =	wrdreg $0xFFFFFFFF  }
0x1f: {  	s28 =	simm.s32 $_size_execute0_lowered;
	s1 =	sadd.s32 s1, s4;
	[dreg:$0x0] =	wrdreg $0x0  }
0x20: {  	s4 =	sshll.u32 s28, $0x1;
	[dreg:$0x2] =	wrdreg s1  }
0x21: {  	[dreg:$0x3] =	wrdreg s4  }
0x22: {  	[dreg:$0x4] =	wrdreg $0xC0  }
0x23: {  	_ =	task [dreg:s6], $0x5FFFF  }
0x24: {  	[dreg:$0x1] =	wrdreg $0xFFFFFFFF  }
0x25: {  	[dreg:$0x0] =	wrdreg $0x60  }
0x26: {  	[dreg:$0x2] =	wrdreg s25  }
0x27: {  	[dreg:$0x3] =	wrdreg $0x9  }
0x28: {  	_ =	task.clear_ibuf [dreg:s6], $0x4FFFF;
	_ =	strace $0x90000046  }
0x29: {  	s29 =	simm.s32 $0x9;
	_ =	strace $0x80000048  }
0x2a: {  	_ =	swait.ge [sflag:s29], $0x1  }
0x2b: {  	[sflag:s29] =	ssyncadd.s32 $0xFFFFFFFF  }
0x2c: {  	_ =	strace $0x90000048  }
0x2d: {  	_ =	sfence  }
0x2e: {  	s30 =	sld [smem:$0x0];
	_ =	sdelay $0x2  }
0x2f: {  	s31 =	sshll.u32 s3, $0xD;
	s3 =	sshrl.u32 s3, $0x2  }
0x30: {  	s2 =	sand.u32 $0x4000, s31;
	s1 =	sadd.s32 s3, s30  }
0x31: {  	s0 =	sor.u32 s2, s0;
	s1 =	sshll.u32 s1, $0x11  }
0x32: {  	s0 =	sor.u32 s1, s0  }
0x33: {  	s0 =	sadd.s32 $0x8F2B, s0  }
0x34: {  	[sflag:s0] =	ssyncadd.remote.s32 $0x1  }
0x35: {  	_ =	sfence.sel $0xFFFF  }
0x36: {  	[dreg:$0x0] =	wrdreg $0xFFFFFFFF;
	(pc) =	sbr.abs _section_cstart, $3  }
0x37: {  	[dreg:$0x1] =	wrdreg $0xFFFFFFFF  }
0x38: {  	_ =	task.clear_ibuf [dreg:s6], $0x2FFFF;
	_ =	strace $0x9FFFFFFF  }
0x39: {  	(tm) =	ssettm $0x7FFFFFFF  }
tec
execute0_lowered:
.L_overlay_start_1:
0x0: {  	(tag) =	ssettag $0x1  }
0x1: {  	s0 =	stileid.u32  }
0x2: {  	s1 =	srdreg.scid;
	s2 =	rddreg [dreg:$0x0]  }
0x3: {  	s8 =	simm.s32 $0x2;
	s15 =	simm.s32 $0x0;
	s16 =	simm.s32 $0x0  }
0x4: {  	s17 =	simm.s32 $0x0;
	s9 =	simm.s32 $0x0;
	s18 =	simm.s32 $0x0  }
0x5: {  	s11 =	simm.s32 $0x0;
	s12 =	simm.s32 $0x0;
	s13 =	simm.s32 $0x0  }
0x6: {  	s14 =	simm.s32 $0x0;
	s10 =	simm.s32 $0x0;
	s3 =	sshll.u32 s0, $0x4  }
0x7: {  	s4 =	sshll.u32 s1, $0x4;
	s1 =	rddreg [dreg:$0x1];
	s3 =	sand.u32 $0x70, s3  }
0x8: {  	_ =	strace $0x80000047;
	s4 =	sand.u32 $0x10, s4;
	s5 =	sadd.s32 s3, s2  }
.Ltmp0:
0x9: {  	s4 =	sor.u32 s0, s4;
	s2 =	sadd.s32 $0x789600, s2;
	(pc) =	sbr.rel .LBB1_1-.Ltmp0, $4  }
0xa: {  	s6 =	sshll.u32 s4, $0x4;
	s7 =	sshll.u32 s4, $0x5;
	s4 =	simm.s32 $0x1  }
0xb: {  	s3 =	sand.u32 $0x3, s0;
	s6 =	sand.u32 $0x180, s6;
	[sflag:s4] =	ssyncpa.u1 $0x0  }
0xc: {  	s6 =	sadd.s32 s6, s5;
	s5 =	sand.u32 $0x380, s7;
	[sflag:s8] =	ssyncpa.u1 $0x0  }
0xd: {  	s7 =	simm.s32 $0xA0C00;
	s8 =	simm.s32 $0x0;
	s6 =	sadd.s32 $0xC00, s6  }
.LBB1_3:
0xe: {  	p0 =	slt.u32 s10, $0x2;
	s18 =	smov.u32 s17  }
0xf: {  	s20 =	smov.u32 s16;
	p1 =	sgt.s32 @!p0 s17, $0x1417;
	p2 =	sgt.s32 @!p0 s16, $0x7F  }
0x10: {  	s19 =	sshra.s32 @!p0 s17, $0x1F;
	p1 =	por !p1, p0;
	p2 =	por !p2, p0  }
0x11: {  	s17 =	sand.u32 @!p0 s19, s17;
	s18 =	simm.s32 @p1 $0x1417;
	s20 =	simm.s32 @p2 $0x7F  }
0x12: {  	p1 =	sgt.s32 @!p0 s15, $0x368;
	s17 =	ssub.s32 @!p0 s18, s17;
	s18 =	sshra.s32 @!p0 s16, $0x1F  }
0x13: {  	p1 =	por !p1, p0;
	s16 =	sand.u32 @!p0 s18, s16;
	s18 =	sadd.s32 @!p0 $0xFFFFEBE9, s17  }
0x14: {  	s15 =	simm.s32 @p1 $0x368;
	p1 =	sgt.s32 @!p0 s18, $0x0;
	s16 =	ssub.s32 @!p0 s20, s16  }
0x15: {  	s17 =	ssub.s32 @!p0 $0x1418, s17;
	p1 =	por !p1, p0;
	s18 =	sadd.s32 @!p0 $0xFFFFFF81, s16  }
0x16: {  	s15 =	ssub.s32 @!p0 $0x3E8, s15;
	s17 =	simm.s32 @!p1 $0x0;
	p1 =	sgt.s32 @!p0 s18, $0x0  }
0x17: {  	s16 =	ssub.s32 @!p0 $0x80, s16;
	s15 =	smul.u32 @!p0 s15, s17;
	p1 =	por !p1, p0  }
0x18: {  	s19 =	sadd.s32 $0x1, s13;
	s16 =	simm.s32 @!p1 $0x0  }
0x19: {  	p1 =	sgt.s32 s19, $0x2;
	s15 =	smul.u32 @!p0 s16, s15;
	s16 =	simm.s32 $0x1  }
0x1a: {  	s16 =	simm.s32 @!p1 $0x0  }
0x1b: {  	s8 =	sadd.s32 $0x80, s8;
	s21 =	sadd.s32 s16, s14  }
0x1c: {  	s10 =	sadd.s32 $0x1, s10;
	s19 =	simm.s32 @p1 $0x0;
	p1 =	sgt.s32 s21, $0x1416  }
0x1d: {  	s18 =	simm.s32 @!p0 $0x2;
	s21 =	simm.s32 @p1 $0x0;
	p1 =	sne.s32 s8, $0x1E2380  }
.Ltmp1:
0x1e: {  	s17 =	smov.u32 s12;
	s12 =	smov.u32 s14;
	(pc) =	sbr.rel @!p1 .LBB1_4-.Ltmp1, $4  }
0x1f: {  	s15 =	sand.u32 @!p0 $0x3FFFFFFF, s15;
	s16 =	smov.u32 s11;
	s11 =	smov.u32 s13  }
0x20: {  	s13 =	smov.u32 s19;
	s20 =	ssub.s32 @!p0 $0x0, s15;
	_ =	swait.ge @!p0 [sflag:s18], s15  }
0x21: {  	s15 =	smov.u32 s9;
	s9 =	smov.u32 s5;
	[sflag:s18] =	ssyncset.done @!p0 $0x0  }
0x22: {  	[sflag:s18] =	ssyncadd.s32 @!p0 s20;
	s18 =	smov.u32 s3;
	s14 =	smov.u32 s21  }
.LBB1_1:
0x23: {  	p0 =	sgt.u32 s10, $0x3C44  }
0x24: {  	s19 =	smul.u32 @!p0 $0x600, s14;
	_ =	sdelay $0x1  }
0x25: {  	s20 =	sxor.u32 @!p0 $0xFFFFFFFF, s8;
	s21 =	sshll.u32 @!p0 s13, $0x9;
	s19 =	sadd.s32 @!p0 s19, s6  }
0x26: {  	s20 =	sand.u32 @!p0 $0x80, s20;
	s19 =	sadd.s32 @!p0 s21, s19;
	s21 =	simm.s32 @!p0 $0x0  }
0x27: {  	[tilespmem:s20], [sflag:$0x1] =	stream.linear.gather @!p0 [hbm4b:s19+s21], $0x80, $0x38;
	[tilespmem:$0x200] =	vst v63  }
0x28: {  	p0 =	seq.s32 s10, $0x0  }
0x29: {  	p1 =	seq.s32 @!p0 s10, $0x3C46  }
0x2a: {  	p0 =	por p0, p1  }
.Ltmp2:
0x2b: {  	_ = 	snop;
	(pc) =	sbr.rel @p0 .LBB1_3-.Ltmp2, $1  }
0x2c: {  	_ =	sdelay $0x3  }
0x2d: {  	s19 =	sshll.u32 s12, $0x7;
	s20 =	sshll.u32 s11, $0x3  }
0x2e: {  	_ =	swait.ge [sflag:s4], $0x80;
	p0 =	sgt.s32 s12, $0x1417;
	s22 =	sshra.s32 s12, $0x1F  }
0x2f: {  	s25 =	sshra.s32 s11, $0x1F;
	s21 =	sand.u32 $0xFFFFFC00, s19;
	s20 =	sand.u32 $0xFFFFFC00, s20  }
0x30: {  	[sflag:s4] =	ssyncset.done $0x0;
	s19 =	sand.u32 $0x380, s19;
	s20 =	sadd.s32 s21, s20  }
0x31: {  	s18 =	smul.u32 $0x4E7DC00, s18;
	[sflag:s4] =	ssyncadd.s32 $0xFFFFFF80;
	s19 =	sor.u32 s19, s20  }
0x32: {  	s21 =	sand.u32 $0x80, s8;
	s20 =	smov.u32 s12;
	s19 =	sshrl.u32 s19, $0x7  }
0x33: {  	s22 =	sand.u32 s22, s12;
	v0 =	vld [tilespmem:s21+$0x0];
	s20 =	simm.s32 @!p0 $0x1417;
	s23 =	smulhi.u32 $0xCBD83, s19  }
0x34: {  	s27 =	sshrl.u32 s11, $0x3;
	v1 =	vld [tilespmem:s21+$0x10];
	p0 =	sgt.s32 s9, $0x368;
	s20 =	ssub.s32 s20, s22  }
0x35: {  	v2 =	vld [tilespmem:s21+$0x20];
	s24 =	sadd.s32 $0xFFFFEBE9, s20;
	s31 =	smul.u32 $0x1418, s23;
	s23 =	smov.u32 s9  }
0x36: {  	v3 =	vld [tilespmem:s21+$0x30];
	s20 =	ssub.s32 $0x1418, s20;
	s23 =	simm.s32 @!p0 $0x368;
	p0 =	sgt.s32 s24, $0x0  }
0x37: {  	v4 =	vld [tilespmem:s21+$0x40];
	s24 =	smov.u32 s11;
	s20 =	simm.s32 @p0 $0x0;
	p0 =	sgt.s32 s11, $0x7F  }
0x38: {  	s28 =	smul.u32 $0x14180, s9;
	s25 =	sand.u32 s25, s11;
	v61 =	vld [tilespmem:s21+$0x50];
	[tilespmem:s21+$0x100] =	vst v0;
	s24 =	simm.s32 @!p0 $0x7F  }
0x39: {  	s29 =	sand.u32 $0x7, s11;
	s18 =	sadd.s32 s2, s18;
	v62 =	vld [tilespmem:s21+$0x60];
	[tilespmem:s21+$0x110] =	vst v1;
	s26 =	ssub.s32 s24, s25  }
0x3a: {  	v63 =	vld [tilespmem:s21+$0x70];
	s30 =	sor.u32 $0x100, s21;
	[tilespmem:s21+$0x120] =	vst v2;
	s23 =	ssub.s32 $0x3E8, s23;
	s24 =	sadd.s32 $0xFFFFFF81, s26  }
0x3b: {  	[tilespmem:s21+$0x130] =	vst v3;
	s20 =	smul.u32 s20, s23;
	s23 =	ssub.s32 $0x80, s26;
	p0 =	sgt.s32 s24, $0x0  }
.Ltmp3:
0x3c: {  	[tilespmem:s21+$0x140] =	vst v4;
	s24 =	sand.u32 $0xF, s27;
	s23 =	simm.s32 @p0 $0x0;
	(pc) =	sbr.rel .LBB1_3-.Ltmp3, $4  }
0x3d: {  	[tilespmem:s21+$0x150] =	vst v61;
	s19 =	ssub.s32 s19, s31;
	s18 =	sadd.s32 s24, s18;
	s20 =	smul.u32 s23, s20  }
0x3e: {  	s22 =	sshll.u32 s29, $0x12;
	[tilespmem:s21+$0x160] =	vst v62;
	s19 =	sshll.u32 s19, $0x4;
	s18 =	sadd.s32 s28, s18  }
0x3f: {  	[tilespmem:s21+$0x170] =	vst v63;
	s31 =	sor.u32 $0x1, s22;
	s18 =	sadd.s32 s19, s18;
	s20 =	sand.u32 $0x3FFFFFFF, s20  }
0x40: {  	[hbm4b:s18+s31] =	stream.strided.scatter [tilespmem:s30], [sflag:$0x2], s20, s7, s31, $0x38;
	[tilespmem:$0x200] =	vst v63  }
.LBB1_4:
0x41: {  	_ =	sfence.sel $0x180000  }
0x42: {  	s2 =	simm.s32 $0x1;
	[bflag:$0x0] =	sbarrier.arrive $0xFFFF  }
0x43: {  	s31 =	simm.s32 $0x2;
	[sflag:s2] =	ssyncpa.u1 $0x1  }
0x44: {  	[sflag:s31] =	ssyncpa.u1 $0x1  }
0x45: {  	p0 =	sne.s32 s0, $0x0;
	_ =	strace $0x90000047  }
0x46: {  	s0 =	sadd.s32 @!p0 $0x100000, s1;
	[bflag:$0x2] =	sbarrier.arrive $0xFFFF  }
0x47: {  	[sflag:s0] =	ssyncadd.tile.s32 @!p0 $0x1;
	_ =	shalt  }
.Lfunc_end1:
_tile_overlayer_lowered:
.L_overlay_start_2:
0x48: {  	(tag) =	ssettag $0x2  }
0x49: {  	s0 =	rddreg [dreg:$0x0];
	s2 =	stileid.u32  }
0x4a: {  	s1 =	rddreg [dreg:$0x1];
	p0 =	sne.s32 s2, $0x0  }
0x4b: {  	s3 =	rddreg [dreg:$0x2];
	[bflag:$0x3] =	sbarrier.arrive $0xFFFF;
	s2 =	simm.s32 @!p0 $0x1C01  }
0x4c: {  	[timem:s3], [sflag:s2] =	dma.local @!p0 [hbm:s0], s1  }
0x4d: {  	s0 =	simm.s32 @!p0 $0x1  }
0x4e: {  	_ =	swait.ge @!p0 [sflag:s0], s1  }
0x4f: {  	s1 =	ssub.s32 @!p0 $0x0, s1;
	[sflag:s0] =	ssyncset.done @!p0 $0x0  }
0x50: {  	[sflag:s0] =	ssyncadd.s32 @!p0 s1  }
0x51: {  	[bflag:$0x3] =	sbarrier.arrive $0xFFFF  }
0x52: {  	_ =	shalt  }

</sc_bundles>
